<compile_context>
chip_gen: v7x
topology: tpu7x:2x2x1
jax: 0.10.2.dev20260603
libtpu: 0.0.44.dev20260713+nightly
codegen_flags: <defaults>
</compile_context>

<pallas_src>
import functools

import jax
import jax.numpy as jnp
from jax import lax
from jax.experimental import pallas as pl
from jax.experimental.pallas import tpu as pltpu
from jax.experimental.pallas import tpu_sc as plsc

B, C, H, W = 16, 34, 128, 128
K = 32
HW = H * W
L = 16
NC, NS = 2, 16
NW = NC * NS
PAIRS = B * K
PPT = PAIRS // NW
EPT = PPT * C
ROWS = B * C * HW // L
CP = 128

_CHUNKS = [(0, 128), (128, 128), (256, 128), (384, 128), (512, 32)]


@functools.partial(
    pl.kernel,
    out_type=jax.ShapeDtypeStruct((PAIRS, CP), jnp.float32),
    mesh=plsc.VectorSubcoreMesh(
        core_axis_name="c", subcore_axis_name="s", num_cores=NC, num_subcores=NS
    ),
    compiler_params=pltpu.CompilerParams(
        needs_layout_passes=False, use_tc_tiling_on_sc=False,
        skip_device_barrier=True,
    ),
    scratch_types=[
        pltpu.VMEM((PPT,), jnp.int32),
        pltpu.VMEM((EPT,), jnp.int32),
        pltpu.VMEM((EPT, L), jnp.float32),
        pltpu.VMEM((PPT, CP), jnp.float32),
        pltpu.SemaphoreType.DMA,
    ],
)
def _gather_sc(table, indf, out, ind_v, idx_v, rows_v, pred_v, sem):
    cid = lax.axis_index("c")
    sid = lax.axis_index("s")
    wid = cid * NS + sid
    b = wid // (K // PPT)
    lane = lax.broadcasted_iota(jnp.int32, (L,), 0)

    pltpu.sync_copy(indf.at[pl.ds(wid * PPT, PPT)], ind_v)
    iv = ind_v[...]

    row0 = lax.shift_right_logical(iv + b * C * HW, 4)

    def _build(c, carry):
        off = pl.multiple_of(c * L, L)
        idx_v[pl.ds(off, L)] = row0 + c * (HW // L)
        return carry

    lax.fori_loop(0, C, _build, 0, unroll=4)

    for cp in [
        pltpu.async_copy(table.at[idx_v.at[pl.ds(off, n)]],
                         rows_v.at[pl.ds(off, n)], sem)
        for off, n in _CHUNKS
    ]:
        cp.wait()

    def _row(j, carry):
        js = jnp.full((L,), 0, jnp.int32) + j
        rem_j = jnp.bitwise_and(plsc.load_gather(ind_v, [js]), L - 1)
        for chunk in range(3):
            cs = jnp.minimum(lane + chunk * L, C - 1)
            vals = plsc.load_gather(rows_v, [cs * L + js, rem_j])
            pred_v[j, pl.ds(chunk * L, L)] = vals
        return carry

    lax.fori_loop(0, PPT, _row, 0, unroll=4)

    pltpu.sync_copy(pred_v, out.at[pl.ds(wid * PPT, PPT)])


def _reduce_tc(pred_ref, mask_ref, targ_ref, out_ref):
    p = pred_ref[...][:, :C].reshape(B, K, C)
    m = mask_ref[...]
    t = targ_ref[...]
    l1 = jnp.sum(jnp.abs(p * m - t * m))
    ms = jnp.sum(m)
    out_ref[0, 0] = l1 / (ms + 1e-4)


def kernel(output, mask, ind, target):
    table = output.reshape(ROWS, L)
    indf = ind.reshape(-1).astype(jnp.int32)
    pred = _gather_sc(table, indf)
    loss = pl.pallas_call(
        _reduce_tc,
        out_shape=jax.ShapeDtypeStruct((1, 1), jnp.float32),
        out_specs=pl.BlockSpec(memory_space=pltpu.SMEM),
    )(pred, mask.astype(jnp.float32), target.astype(jnp.float32))
    return loss[0, 0]

# --- scband reference (transcript-rebuilt; emitter-appended) ---
"""Pipeline reference for scband-reg-weighted-l1-loss-1580547973376 (READ-ONLY COPY).

The authoritative reference and input builder live on the scoring server;
editing this copy changes nothing except your own understanding.
"""

import jax, jax.numpy as jnp
import numpy as np

B, C, H, W = 16, 34, 128, 128
K = 32

def setup_inputs(seed: int = 0) -> dict:
    key = jax.random.key(seed)
    k1, k2, k3, k4 = jax.random.split(key, 4)
    output = jax.random.normal(k1, (B, C, H, W), dtype=jnp.float32)
    mask = jax.random.uniform(k2, (B, K, C), dtype=jnp.float32)
    ind = jax.random.randint(k3, (B, K), 0, H * W, dtype=jnp.int64)
    target = jax.random.normal(k4, (B, K, C), dtype=jnp.float32)
    return {"output": output, "mask": mask, "ind": ind, "target": target}

def _gather_feat(feat, ind):
    # feat: [B, N, dim], ind: [B, K] -> [B, K, dim]
    dim = feat.shape[2]
    idx = jnp.broadcast_to(ind[:, :, None], (ind.shape[0], ind.shape[1], dim))
    return jnp.take_along_axis(feat, idx, axis=1)

def _transpose_and_gather_feat(feat, ind):
    # feat: [B, C, H, W] -> [B, H*W, C], then gather along dim 1
    b, c, h, w = feat.shape
    feat = jnp.transpose(feat, (0, 2, 3, 1)).reshape(b, h * w, c)
    return _gather_feat(feat, ind)

def reference(output, mask, ind, target):
    pred = _transpose_and_gather_feat(output, ind)  # [B, K, C]
    maskf = mask.astype(jnp.float32)
    loss = jnp.sum(jnp.abs(pred * maskf - target * maskf))  # l1_loss, reduction='sum'
    loss = loss / (jnp.sum(maskf) + 0.0001)
    return loss

if __name__ == "__main__":
    import jax
    _d = setup_inputs()
    print(jax.jit(kernel)(*tuple(_d.values())))

</pallas_src>

<mosaic_0001>
#map = affine_map<(d0, d1) -> (0, 0)>
#map1 = affine_map<(d0, d1) -> (0)>
module attributes {stable_mosaic.version = 14 : i64} {
  func.func @_gather_sc(%arg0: i32, %arg1: i32, %arg2: memref<557056x16xf32, #tpu.memory_space<hbm>>, %arg3: memref<512xi32, #tpu.memory_space<hbm>>, %arg4: memref<512x128xf32, #tpu.memory_space<hbm>>, %arg5: memref<16xi32, #tpu.memory_space<vmem>>, %arg6: memref<544xi32, #tpu.memory_space<vmem>>, %arg7: memref<544x16xf32, #tpu.memory_space<vmem>>, %arg8: memref<16x128xf32, #tpu.memory_space<vmem>>, %arg9: memref<!tpu.dma_semaphore, #tpu.memory_space<semaphore_mem>>) attributes {dimension_semantics = [#tpu.dimension_semantics<core_parallel>, #tpu.dimension_semantics<subcore_parallel>], iteration_bounds = array<i64: 2, 16>, scalar_prefetch = 0 : i64, scratch_operands = 5 : i64, tpu.core_type = #tpu.core_type<sc_vector_subcore>, window_params = [{transform_indices = #map}, {transform_indices = #map1}, {transform_indices = #map}]} {
    %mul3A = arith.constant 16 : i32
    %mul3A_0 = arith.muli %arg0, %mul3A : i32
    %add3A = arith.addi %mul3A_0, %arg1 : i32
    %jit3A = arith.constant 2 : i32
    %div3A = arith.divsi %add3A, %jit3A : i32
    %sign3A = arith.constant 0 : i32
    %sign3A_1 = arith.cmpi sgt, %add3A, %sign3A : i32
    %sign3A_2 = arith.extui %sign3A_1 : i1 to i32
    %sign3A_3 = arith.constant 0 : i32
    %sign3A_4 = arith.cmpi slt, %add3A, %sign3A_3 : i32
    %sign3A_5 = arith.extui %sign3A_4 : i1 to i32
    %sign3A_6 = arith.subi %sign3A_2, %sign3A_5 : i32
    %sign3A_7 = arith.constant 0 : i32
    %sign3A_8 = arith.cmpi sgt, %jit3A, %sign3A_7 : i32
    %sign3A_9 = arith.extui %sign3A_8 : i1 to i32
    %sign3A_10 = arith.constant 0 : i32
    %sign3A_11 = arith.cmpi slt, %jit3A, %sign3A_10 : i32
    %sign3A_12 = arith.extui %sign3A_11 : i1 to i32
    %sign3A_13 = arith.subi %sign3A_9, %sign3A_12 : i32
    %ne3A = arith.cmpi ne, %sign3A_6, %sign3A_13 : i32
    %rem3A = arith.remsi %add3A, %jit3A : i32
    %ne3A_14 = arith.constant 0 : i32
    %ne3A_15 = arith.cmpi ne, %rem3A, %ne3A_14 : i32
    %and3A = arith.andi %ne3A, %ne3A_15 : i1
    %sub3A = arith.constant 1 : i32
    %sub3A_16 = arith.subi %div3A, %sub3A : i32
    %select_n3A = arith.select %and3A, %sub3A_16, %div3A : i32
    %iota3A = tpu.iota {dimensions = array<i32: 0>} : vector<16xi32>
    %mul3A_17 = arith.constant 16 : i32
    %mul3A_18 = arith.muli %add3A, %mul3A_17 : i32
    "tpu.region"() ({
      %run_scoped3A = tpu.sem_alloc : memref<!tpu.dma_semaphore, #tpu.memory_space<semaphore_mem>>
      %dma_start3A_139 = tpu.memref_slice %arg3[%mul3A_18] : memref<512xi32, #tpu.memory_space<hbm>> -> memref<16xi32, #tpu.memory_space<hbm>>
      %dma_start3A_140 = tpu.memref_slice %arg3[%mul3A_18] : memref<512xi32, #tpu.memory_space<hbm>> -> memref<16xi32, #tpu.memory_space<hbm>>
      tpu.enqueue_dma source(%dma_start3A_140 : memref<16xi32, #tpu.memory_space<hbm>>) target(%arg5 : memref<16xi32, #tpu.memory_space<vmem>>) target_semaphore(%run_scoped3A : memref<!tpu.dma_semaphore, #tpu.memory_space<semaphore_mem>>)
      %dma_wait3A_141 = tpu.memref_slice %arg3[%mul3A_18] : memref<512xi32, #tpu.memory_space<hbm>> -> memref<16xi32, #tpu.memory_space<hbm>>
      %dma_wait3A_142 = tpu.memref_slice %arg3[%mul3A_18] : memref<512xi32, #tpu.memory_space<hbm>> -> memref<16xi32, #tpu.memory_space<hbm>>
      tpu.wait_dma2 semaphore(%run_scoped3A : memref<!tpu.dma_semaphore, #tpu.memory_space<semaphore_mem>>) src(%dma_wait3A_142 : memref<16xi32, #tpu.memory_space<hbm>>) dst(%arg5 : memref<16xi32, #tpu.memory_space<vmem>>)
      tpu.yield
    }) : () -> ()
    %get3A = arith.constant 0 : index
    %get3A_19 = tpu.vector_load %arg5[%get3A] {strides = array<i32>} : memref<16xi32, #tpu.memory_space<vmem>>, vector<16xi32>,
    %mul3A_20 = arith.constant 34 : i32
    %mul3A_21 = arith.muli %select_n3A, %mul3A_20 : i32
    %mul3A_22 = arith.constant 16384 : i32
    %mul3A_23 = arith.muli %mul3A_21, %mul3A_22 : i32
    %add3A_24 = vector.broadcast %mul3A_23 : i32 to vector<16xi32>
    %add3A_25 = arith.addi %get3A_19, %add3A_24 : vector<16xi32>
    %shift_right_logical3A = arith.constant 4 : i32
    %shift_right_logical3A_26 = vector.broadcast %shift_right_logical3A : i32 to vector<16xi32>
    %shift_right_logical3A_27 = arith.shrui %add3A_25, %shift_right_logical3A_26 : vector<16xi32>
    %scan3A = arith.constant 0 : i32
    %scan3A_28 = arith.constant 0 : i32
    %scan3A_29 = arith.constant 32 : i32
    %scan3A_30 = arith.addi %scan3A_28, %scan3A_29 : i32
    %scan3A_31 = arith.constant 4 : i32
    scf.for %scan3A_139 = %scan3A_28 to %scan3A_30 step %scan3A_31  : i32 {
      %mul3A_140 = arith.constant 16 : i32
      %mul3A_141 = arith.muli %scan3A_139, %mul3A_140 : i32
      %multiple_of3A_142 = tpu.assume_multiple %mul3A_141, 16 : i32
      %mul3A_143 = arith.constant 1024 : i32
      %mul3A_144 = arith.muli %scan3A_139, %mul3A_143 : i32
      %add3A_145 = vector.broadcast %mul3A_144 : i32 to vector<16xi32>
      %add3A_146 = arith.addi %shift_right_logical3A_27, %add3A_145 : vector<16xi32>
      %swap3A_147 = arith.index_cast %multiple_of3A_142 : i32 to index
      %swap3A_148 = tpu.vector_load %arg6[%swap3A_147] {strides = array<i32>} : memref<544xi32, #tpu.memory_space<vmem>>, vector<16xi32>,
      tpu.vector_store %arg6[%swap3A_147], %add3A_146 {strides = array<i32>} : memref<544xi32, #tpu.memory_space<vmem>>, vector<16xi32>,
      %scan3A_149 = arith.constant 1 : i32
      %scan3A_150 = arith.addi %scan3A_139, %scan3A_149 : i32
      %mul3A_151 = arith.constant 16 : i32
      %mul3A_152 = arith.muli %scan3A_150, %mul3A_151 : i32
      %multiple_of3A_153 = tpu.assume_multiple %mul3A_152, 16 : i32
      %mul3A_154 = arith.constant 1024 : i32
      %mul3A_155 = arith.muli %scan3A_150, %mul3A_154 : i32
      %add3A_156 = vector.broadcast %mul3A_155 : i32 to vector<16xi32>
      %add3A_157 = arith.addi %shift_right_logical3A_27, %add3A_156 : vector<16xi32>
      %swap3A_158 = arith.index_cast %multiple_of3A_153 : i32 to index
      %swap3A_159 = tpu.vector_load %arg6[%swap3A_158] {strides = array<i32>} : memref<544xi32, #tpu.memory_space<vmem>>, vector<16xi32>,
      tpu.vector_store %arg6[%swap3A_158], %add3A_157 {strides = array<i32>} : memref<544xi32, #tpu.memory_space<vmem>>, vector<16xi32>,
      %scan3A_160 = arith.constant 2 : i32
      %scan3A_161 = arith.addi %scan3A_139, %scan3A_160 : i32
      %mul3A_162 = arith.constant 16 : i32
      %mul3A_163 = arith.muli %scan3A_161, %mul3A_162 : i32
      %multiple_of3A_164 = tpu.assume_multiple %mul3A_163, 16 : i32
      %mul3A_165 = arith.constant 1024 : i32
      %mul3A_166 = arith.muli %scan3A_161, %mul3A_165 : i32
      %add3A_167 = vector.broadcast %mul3A_166 : i32 to vector<16xi32>
      %add3A_168 = arith.addi %shift_right_logical3A_27, %add3A_167 : vector<16xi32>
      %swap3A_169 = arith.index_cast %multiple_of3A_164 : i32 to index
      %swap3A_170 = tpu.vector_load %arg6[%swap3A_169] {strides = array<i32>} : memref<544xi32, #tpu.memory_space<vmem>>, vector<16xi32>,
      tpu.vector_store %arg6[%swap3A_169], %add3A_168 {strides = array<i32>} : memref<544xi32, #tpu.memory_space<vmem>>, vector<16xi32>,
      %scan3A_171 = arith.constant 3 : i32
      %scan3A_172 = arith.addi %scan3A_139, %scan3A_171 : i32
      %mul3A_173 = arith.constant 16 : i32
      %mul3A_174 = arith.muli %scan3A_172, %mul3A_173 : i32
      %multiple_of3A_175 = tpu.assume_multiple %mul3A_174, 16 : i32
      %mul3A_176 = arith.constant 1024 : i32
      %mul3A_177 = arith.muli %scan3A_172, %mul3A_176 : i32
      %add3A_178 = vector.broadcast %mul3A_177 : i32 to vector<16xi32>
      %add3A_179 = arith.addi %shift_right_logical3A_27, %add3A_178 : vector<16xi32>
      %swap3A_180 = arith.index_cast %multiple_of3A_175 : i32 to index
      %swap3A_181 = tpu.vector_load %arg6[%swap3A_180] {strides = array<i32>} : memref<544xi32, #tpu.memory_space<vmem>>, vector<16xi32>,
      tpu.vector_store %arg6[%swap3A_180], %add3A_179 {strides = array<i32>} : memref<544xi32, #tpu.memory_space<vmem>>, vector<16xi32>,
    }
    %scan3A_32 = arith.constant 32 : i32
    %scan3A_33 = arith.addi %scan3A_28, %scan3A_32 : i32
    %mul3A_34 = arith.constant 16 : i32
    %mul3A_35 = arith.muli %scan3A_33, %mul3A_34 : i32
    %multiple_of3A = tpu.assume_multiple %mul3A_35, 16 : i32
    %mul3A_36 = arith.constant 1024 : i32
    %mul3A_37 = arith.muli %scan3A_33, %mul3A_36 : i32
    %add3A_38 = vector.broadcast %mul3A_37 : i32 to vector<16xi32>
    %add3A_39 = arith.addi %shift_right_logical3A_27, %add3A_38 : vector<16xi32>
    %swap3A = arith.index_cast %multiple_of3A : i32 to index
    %swap3A_40 = tpu.vector_load %arg6[%swap3A] {strides = array<i32>} : memref<544xi32, #tpu.memory_space<vmem>>, vector<16xi32>,
    tpu.vector_store %arg6[%swap3A], %add3A_39 {strides = array<i32>} : memref<544xi32, #tpu.memory_space<vmem>>, vector<16xi32>,
    %scan3A_41 = arith.constant 33 : i32
    %scan3A_42 = arith.addi %scan3A_28, %scan3A_41 : i32
    %mul3A_43 = arith.constant 16 : i32
    %mul3A_44 = arith.muli %scan3A_42, %mul3A_43 : i32
    %multiple_of3A_45 = tpu.assume_multiple %mul3A_44, 16 : i32
    %mul3A_46 = arith.constant 1024 : i32
    %mul3A_47 = arith.muli %scan3A_42, %mul3A_46 : i32
    %add3A_48 = vector.broadcast %mul3A_47 : i32 to vector<16xi32>
    %add3A_49 = arith.addi %shift_right_logical3A_27, %add3A_48 : vector<16xi32>
    %swap3A_50 = arith.index_cast %multiple_of3A_45 : i32 to index
    %swap3A_51 = tpu.vector_load %arg6[%swap3A_50] {strides = array<i32>} : memref<544xi32, #tpu.memory_space<vmem>>, vector<16xi32>,
    tpu.vector_store %arg6[%swap3A_50], %add3A_49 {strides = array<i32>} : memref<544xi32, #tpu.memory_space<vmem>>, vector<16xi32>,
    %scan3A_52 = arith.constant 34 : i32
    %dma_start3A = arith.constant 0 : i32
    %dma_start3A_53 = arith.constant 0 : i32
    %dma_start3A_54 = tpu.memref_slice %arg7[%dma_start3A, %dma_start3A_53] : memref<544x16xf32, #tpu.memory_space<vmem>> -> memref<128x16xf32, #tpu.memory_space<vmem>>
    %dma_start3A_55 = arith.constant 0 : i32
    %dma_start3A_56 = tpu.memref_slice %arg6[%dma_start3A_55] : memref<544xi32, #tpu.memory_space<vmem>> -> memref<128xi32, #tpu.memory_space<vmem>>
    %dma_start3A_57 = arith.constant 0 : i32
    %dma_start3A_58 = arith.constant 0 : i32
    %dma_start3A_59 = tpu.memref_slice %arg2[%dma_start3A_57, %dma_start3A_58] : memref<557056x16xf32, #tpu.memory_space<hbm>> -> memref<557056x16xf32, #tpu.memory_space<hbm>>
    tpu.enqueue_indirect_dma source(%dma_start3A_59 : memref<557056x16xf32, #tpu.memory_space<hbm>>) target(%dma_start3A_54 : memref<128x16xf32, #tpu.memory_space<vmem>>) offsets(%dma_start3A_56 : memref<128xi32, #tpu.memory_space<vmem>>) semaphore(%arg9 : memref<!tpu.dma_semaphore, #tpu.memory_space<semaphore_mem>>)
    %dma_start3A_60 = arith.constant 128 : i32
    %dma_start3A_61 = arith.constant 0 : i32
    %dma_start3A_62 = tpu.memref_slice %arg7[%dma_start3A_60, %dma_start3A_61] : memref<544x16xf32, #tpu.memory_space<vmem>> -> memref<128x16xf32, #tpu.memory_space<vmem>>
    %dma_start3A_63 = arith.constant 128 : i32
    %dma_start3A_64 = tpu.memref_slice %arg6[%dma_start3A_63] : memref<544xi32, #tpu.memory_space<vmem>> -> memref<128xi32, #tpu.memory_space<vmem>>
    %dma_start3A_65 = arith.constant 0 : i32
    %dma_start3A_66 = arith.constant 0 : i32
    %dma_start3A_67 = tpu.memref_slice %arg2[%dma_start3A_65, %dma_start3A_66] : memref<557056x16xf32, #tpu.memory_space<hbm>> -> memref<557056x16xf32, #tpu.memory_space<hbm>>
    tpu.enqueue_indirect_dma source(%dma_start3A_67 : memref<557056x16xf32, #tpu.memory_space<hbm>>) target(%dma_start3A_62 : memref<128x16xf32, #tpu.memory_space<vmem>>) offsets(%dma_start3A_64 : memref<128xi32, #tpu.memory_space<vmem>>) semaphore(%arg9 : memref<!tpu.dma_semaphore, #tpu.memory_space<semaphore_mem>>)
    %dma_start3A_68 = arith.constant 256 : i32
    %dma_start3A_69 = arith.constant 0 : i32
    %dma_start3A_70 = tpu.memref_slice %arg7[%dma_start3A_68, %dma_start3A_69] : memref<544x16xf32, #tpu.memory_space<vmem>> -> memref<128x16xf32, #tpu.memory_space<vmem>>
    %dma_start3A_71 = arith.constant 256 : i32
    %dma_start3A_72 = tpu.memref_slice %arg6[%dma_start3A_71] : memref<544xi32, #tpu.memory_space<vmem>> -> memref<128xi32, #tpu.memory_space<vmem>>
    %dma_start3A_73 = arith.constant 0 : i32
    %dma_start3A_74 = arith.constant 0 : i32
    %dma_start3A_75 = tpu.memref_slice %arg2[%dma_start3A_73, %dma_start3A_74] : memref<557056x16xf32, #tpu.memory_space<hbm>> -> memref<557056x16xf32, #tpu.memory_space<hbm>>
    tpu.enqueue_indirect_dma source(%dma_start3A_75 : memref<557056x16xf32, #tpu.memory_space<hbm>>) target(%dma_start3A_70 : memref<128x16xf32, #tpu.memory_space<vmem>>) offsets(%dma_start3A_72 : memref<128xi32, #tpu.memory_space<vmem>>) semaphore(%arg9 : memref<!tpu.dma_semaphore, #tpu.memory_space<semaphore_mem>>)
    %dma_start3A_76 = arith.constant 384 : i32
    %dma_start3A_77 = arith.constant 0 : i32
    %dma_start3A_78 = tpu.memref_slice %arg7[%dma_start3A_76, %dma_start3A_77] : memref<544x16xf32, #tpu.memory_space<vmem>> -> memref<128x16xf32, #tpu.memory_space<vmem>>
    %dma_start3A_79 = arith.constant 384 : i32
    %dma_start3A_80 = tpu.memref_slice %arg6[%dma_start3A_79] : memref<544xi32, #tpu.memory_space<vmem>> -> memref<128xi32, #tpu.memory_space<vmem>>
    %dma_start3A_81 = arith.constant 0 : i32
    %dma_start3A_82 = arith.constant 0 : i32
    %dma_start3A_83 = tpu.memref_slice %arg2[%dma_start3A_81, %dma_start3A_82] : memref<557056x16xf32, #tpu.memory_space<hbm>> -> memref<557056x16xf32, #tpu.memory_space<hbm>>
    tpu.enqueue_indirect_dma source(%dma_start3A_83 : memref<557056x16xf32, #tpu.memory_space<hbm>>) target(%dma_start3A_78 : memref<128x16xf32, #tpu.memory_space<vmem>>) offsets(%dma_start3A_80 : memref<128xi32, #tpu.memory_space<vmem>>) semaphore(%arg9 : memref<!tpu.dma_semaphore, #tpu.memory_space<semaphore_mem>>)
    %dma_start3A_84 = arith.constant 512 : i32
    %dma_start3A_85 = arith.constant 0 : i32
    %dma_start3A_86 = tpu.memref_slice %arg7[%dma_start3A_84, %dma_start3A_85] : memref<544x16xf32, #tpu.memory_space<vmem>> -> memref<32x16xf32, #tpu.memory_space<vmem>>
    %dma_start3A_87 = arith.constant 512 : i32
    %dma_start3A_88 = tpu.memref_slice %arg6[%dma_start3A_87] : memref<544xi32, #tpu.memory_space<vmem>> -> memref<32xi32, #tpu.memory_space<vmem>>
    %dma_start3A_89 = arith.constant 0 : i32
    %dma_start3A_90 = arith.constant 0 : i32
    %dma_start3A_91 = tpu.memref_slice %arg2[%dma_start3A_89, %dma_start3A_90] : memref<557056x16xf32, #tpu.memory_space<hbm>> -> memref<557056x16xf32, #tpu.memory_space<hbm>>
    tpu.enqueue_indirect_dma source(%dma_start3A_91 : memref<557056x16xf32, #tpu.memory_space<hbm>>) target(%dma_start3A_86 : memref<32x16xf32, #tpu.memory_space<vmem>>) offsets(%dma_start3A_88 : memref<32xi32, #tpu.memory_space<vmem>>) semaphore(%arg9 : memref<!tpu.dma_semaphore, #tpu.memory_space<semaphore_mem>>)
    %dma_wait3A = arith.constant 0 : i32
    %dma_wait3A_92 = arith.constant 0 : i32
    %dma_wait3A_93 = tpu.memref_slice %arg7[%dma_wait3A, %dma_wait3A_92] : memref<544x16xf32, #tpu.memory_space<vmem>> -> memref<128x16xf32, #tpu.memory_space<vmem>>
    %dma_wait3A_94 = arith.constant 0 : i32
    %dma_wait3A_95 = tpu.memref_slice %arg6[%dma_wait3A_94] : memref<544xi32, #tpu.memory_space<vmem>> -> memref<128xi32, #tpu.memory_space<vmem>>
    %dma_wait3A_96 = arith.constant 0 : i32
    %dma_wait3A_97 = arith.constant 0 : i32
    %dma_wait3A_98 = tpu.memref_slice %arg2[%dma_wait3A_96, %dma_wait3A_97] : memref<557056x16xf32, #tpu.memory_space<hbm>> -> memref<557056x16xf32, #tpu.memory_space<hbm>>
    tpu.wait_indirect_dma semaphore(%arg9 : memref<!tpu.dma_semaphore, #tpu.memory_space<semaphore_mem>>) src(%dma_wait3A_98 : memref<557056x16xf32, #tpu.memory_space<hbm>>) dst(%dma_wait3A_93 : memref<128x16xf32, #tpu.memory_space<vmem>>)
    %dma_wait3A_99 = arith.constant 128 : i32
    %dma_wait3A_100 = arith.constant 0 : i32
    %dma_wait3A_101 = tpu.memref_slice %arg7[%dma_wait3A_99, %dma_wait3A_100] : memref<544x16xf32, #tpu.memory_space<vmem>> -> memref<128x16xf32, #tpu.memory_space<vmem>>
    %dma_wait3A_102 = arith.constant 128 : i32
    %dma_wait3A_103 = tpu.memref_slice %arg6[%dma_wait3A_102] : memref<544xi32, #tpu.memory_space<vmem>> -> memref<128xi32, #tpu.memory_space<vmem>>
    %dma_wait3A_104 = arith.constant 0 : i32
    %dma_wait3A_105 = arith.constant 0 : i32
    %dma_wait3A_106 = tpu.memref_slice %arg2[%dma_wait3A_104, %dma_wait3A_105] : memref<557056x16xf32, #tpu.memory_space<hbm>> -> memref<557056x16xf32, #tpu.memory_space<hbm>>
    tpu.wait_indirect_dma semaphore(%arg9 : memref<!tpu.dma_semaphore, #tpu.memory_space<semaphore_mem>>) src(%dma_wait3A_106 : memref<557056x16xf32, #tpu.memory_space<hbm>>) dst(%dma_wait3A_101 : memref<128x16xf32, #tpu.memory_space<vmem>>)
    %dma_wait3A_107 = arith.constant 256 : i32
    %dma_wait3A_108 = arith.constant 0 : i32
    %dma_wait3A_109 = tpu.memref_slice %arg7[%dma_wait3A_107, %dma_wait3A_108] : memref<544x16xf32, #tpu.memory_space<vmem>> -> memref<128x16xf32, #tpu.memory_space<vmem>>
    %dma_wait3A_110 = arith.constant 256 : i32
    %dma_wait3A_111 = tpu.memref_slice %arg6[%dma_wait3A_110] : memref<544xi32, #tpu.memory_space<vmem>> -> memref<128xi32, #tpu.memory_space<vmem>>
    %dma_wait3A_112 = arith.constant 0 : i32
    %dma_wait3A_113 = arith.constant 0 : i32
    %dma_wait3A_114 = tpu.memref_slice %arg2[%dma_wait3A_112, %dma_wait3A_113] : memref<557056x16xf32, #tpu.memory_space<hbm>> -> memref<557056x16xf32, #tpu.memory_space<hbm>>
    tpu.wait_indirect_dma semaphore(%arg9 : memref<!tpu.dma_semaphore, #tpu.memory_space<semaphore_mem>>) src(%dma_wait3A_114 : memref<557056x16xf32, #tpu.memory_space<hbm>>) dst(%dma_wait3A_109 : memref<128x16xf32, #tpu.memory_space<vmem>>)
    %dma_wait3A_115 = arith.constant 384 : i32
    %dma_wait3A_116 = arith.constant 0 : i32
    %dma_wait3A_117 = tpu.memref_slice %arg7[%dma_wait3A_115, %dma_wait3A_116] : memref<544x16xf32, #tpu.memory_space<vmem>> -> memref<128x16xf32, #tpu.memory_space<vmem>>
    %dma_wait3A_118 = arith.constant 384 : i32
    %dma_wait3A_119 = tpu.memref_slice %arg6[%dma_wait3A_118] : memref<544xi32, #tpu.memory_space<vmem>> -> memref<128xi32, #tpu.memory_space<vmem>>
    %dma_wait3A_120 = arith.constant 0 : i32
    %dma_wait3A_121 = arith.constant 0 : i32
    %dma_wait3A_122 = tpu.memref_slice %arg2[%dma_wait3A_120, %dma_wait3A_121] : memref<557056x16xf32, #tpu.memory_space<hbm>> -> memref<557056x16xf32, #tpu.memory_space<hbm>>
    tpu.wait_indirect_dma semaphore(%arg9 : memref<!tpu.dma_semaphore, #tpu.memory_space<semaphore_mem>>) src(%dma_wait3A_122 : memref<557056x16xf32, #tpu.memory_space<hbm>>) dst(%dma_wait3A_117 : memref<128x16xf32, #tpu.memory_space<vmem>>)
    %dma_wait3A_123 = arith.constant 512 : i32
    %dma_wait3A_124 = arith.constant 0 : i32
    %dma_wait3A_125 = tpu.memref_slice %arg7[%dma_wait3A_123, %dma_wait3A_124] : memref<544x16xf32, #tpu.memory_space<vmem>> -> memref<32x16xf32, #tpu.memory_space<vmem>>
    %dma_wait3A_126 = arith.constant 512 : i32
    %dma_wait3A_127 = tpu.memref_slice %arg6[%dma_wait3A_126] : memref<544xi32, #tpu.memory_space<vmem>> -> memref<32xi32, #tpu.memory_space<vmem>>
    %dma_wait3A_128 = arith.constant 0 : i32
    %dma_wait3A_129 = arith.constant 0 : i32
    %dma_wait3A_130 = tpu.memref_slice %arg2[%dma_wait3A_128, %dma_wait3A_129] : memref<557056x16xf32, #tpu.memory_space<hbm>> -> memref<557056x16xf32, #tpu.memory_space<hbm>>
    tpu.wait_indirect_dma semaphore(%arg9 : memref<!tpu.dma_semaphore, #tpu.memory_space<semaphore_mem>>) src(%dma_wait3A_130 : memref<557056x16xf32, #tpu.memory_space<hbm>>) dst(%dma_wait3A_125 : memref<32x16xf32, #tpu.memory_space<vmem>>)
    %scan3A_131 = arith.constant 0 : i32
    %scan3A_132 = arith.constant 0 : i32
    %scan3A_133 = arith.constant 16 : i32
    %scan3A_134 = arith.addi %scan3A_132, %scan3A_133 : i32
    %scan3A_135 = arith.constant 4 : i32
    scf.for %scan3A_139 = %scan3A_132 to %scan3A_134 step %scan3A_135  : i32 {
      %broadcast_in_dim3A = arith.constant 0 : i32
      %broadcast_in_dim3A_140 = vector.broadcast %broadcast_in_dim3A : i32 to vector<16xi32>
      %add3A_141 = vector.broadcast %scan3A_139 : i32 to vector<16xi32>
      %add3A_142 = arith.addi %broadcast_in_dim3A_140, %add3A_141 : vector<16xi32>
      %gather3A = tpu.vector_load_idx %arg5[%add3A_142] : memref<16xi32, #tpu.memory_space<vmem>>[vector<16xi32>], vector<16xi32>,
      %and3A_143 = arith.constant 15 : i32
      %and3A_144 = vector.broadcast %and3A_143 : i32 to vector<16xi32>
      %and3A_145 = arith.andi %gather3A, %and3A_144 : vector<16xi32>
      %add3A_146 = arith.constant 0 : i32
      %add3A_147 = vector.broadcast %add3A_146 : i32 to vector<16xi32>
      %add3A_148 = arith.addi %iota3A, %add3A_147 : vector<16xi32>
      %min3A = arith.constant 33 : i32
      %min3A_149 = vector.broadcast %min3A : i32 to vector<16xi32>
      %min3A_150 = arith.minsi %add3A_148, %min3A_149 : vector<16xi32>
      %mul3A_151 = arith.constant 16 : i32
      %mul3A_152 = vector.broadcast %mul3A_151 : i32 to vector<16xi32>
      %mul3A_153 = arith.muli %min3A_150, %mul3A_152 : vector<16xi32>
      %add3A_154 = arith.addi %mul3A_153, %add3A_142 : vector<16xi32>
      %gather3A_155 = tpu.vector_load_idx %arg7[%add3A_154, %and3A_145] : memref<544x16xf32, #tpu.memory_space<vmem>>[vector<16xi32>, vector<16xi32>], vector<16xf32>,
      %swap3A_156 = arith.index_cast %scan3A_139 : i32 to index
      %swap3A_157 = arith.constant 0 : index
      %swap3A_158 = tpu.vector_load %arg8[%swap3A_156, %swap3A_157] {strides = array<i32>} : memref<16x128xf32, #tpu.memory_space<vmem>>, vector<16xf32>,
      tpu.vector_store %arg8[%swap3A_156, %swap3A_157], %gather3A_155 {strides = array<i32>} : memref<16x128xf32, #tpu.memory_space<vmem>>, vector<16xf32>,
      %add3A_159 = arith.constant 16 : i32
      %add3A_160 = vector.broadcast %add3A_159 : i32 to vector<16xi32>
      %add3A_161 = arith.addi %iota3A, %add3A_160 : vector<16xi32>
      %min3A_162 = arith.constant 33 : i32
      %min3A_163 = vector.broadcast %min3A_162 : i32 to vector<16xi32>
      %min3A_164 = arith.minsi %add3A_161, %min3A_163 : vector<16xi32>
      %mul3A_165 = arith.constant 16 : i32
      %mul3A_166 = vector.broadcast %mul3A_165 : i32 to vector<16xi32>
      %mul3A_167 = arith.muli %min3A_164, %mul3A_166 : vector<16xi32>
      %add3A_168 = arith.addi %mul3A_167, %add3A_142 : vector<16xi32>
      %gather3A_169 = tpu.vector_load_idx %arg7[%add3A_168, %and3A_145] : memref<544x16xf32, #tpu.memory_space<vmem>>[vector<16xi32>, vector<16xi32>], vector<16xf32>,
      %swap3A_170 = arith.index_cast %scan3A_139 : i32 to index
      %swap3A_171 = arith.constant 16 : index
      %swap3A_172 = tpu.vector_load %arg8[%swap3A_170, %swap3A_171] {strides = array<i32>} : memref<16x128xf32, #tpu.memory_space<vmem>>, vector<16xf32>,
      tpu.vector_store %arg8[%swap3A_170, %swap3A_171], %gather3A_169 {strides = array<i32>} : memref<16x128xf32, #tpu.memory_space<vmem>>, vector<16xf32>,
      %add3A_173 = arith.constant 32 : i32
      %add3A_174 = vector.broadcast %add3A_173 : i32 to vector<16xi32>
      %add3A_175 = arith.addi %iota3A, %add3A_174 : vector<16xi32>
      %min3A_176 = arith.constant 33 : i32
      %min3A_177 = vector.broadcast %min3A_176 : i32 to vector<16xi32>
      %min3A_178 = arith.minsi %add3A_175, %min3A_177 : vector<16xi32>
      %mul3A_179 = arith.constant 16 : i32
      %mul3A_180 = vector.broadcast %mul3A_179 : i32 to vector<16xi32>
      %mul3A_181 = arith.muli %min3A_178, %mul3A_180 : vector<16xi32>
      %add3A_182 = arith.addi %mul3A_181, %add3A_142 : vector<16xi32>
      %gather3A_183 = tpu.vector_load_idx %arg7[%add3A_182, %and3A_145] : memref<544x16xf32, #tpu.memory_space<vmem>>[vector<16xi32>, vector<16xi32>], vector<16xf32>,
      %swap3A_184 = arith.index_cast %scan3A_139 : i32 to index
      %swap3A_185 = arith.constant 32 : index
      %swap3A_186 = tpu.vector_load %arg8[%swap3A_184, %swap3A_185] {strides = array<i32>} : memref<16x128xf32, #tpu.memory_space<vmem>>, vector<16xf32>,
      tpu.vector_store %arg8[%swap3A_184, %swap3A_185], %gather3A_183 {strides = array<i32>} : memref<16x128xf32, #tpu.memory_space<vmem>>, vector<16xf32>,
      %scan3A_187 = arith.constant 1 : i32
      %scan3A_188 = arith.addi %scan3A_139, %scan3A_187 : i32
      %broadcast_in_dim3A_189 = arith.constant 0 : i32
      %broadcast_in_dim3A_190 = vector.broadcast %broadcast_in_dim3A_189 : i32 to vector<16xi32>
      %add3A_191 = vector.broadcast %scan3A_188 : i32 to vector<16xi32>
      %add3A_192 = arith.addi %broadcast_in_dim3A_190, %add3A_191 : vector<16xi32>
      %gather3A_193 = tpu.vector_load_idx %arg5[%add3A_192] : memref<16xi32, #tpu.memory_space<vmem>>[vector<16xi32>], vector<16xi32>,
      %and3A_194 = arith.constant 15 : i32
      %and3A_195 = vector.broadcast %and3A_194 : i32 to vector<16xi32>
      %and3A_196 = arith.andi %gather3A_193, %and3A_195 : vector<16xi32>
      %add3A_197 = arith.constant 0 : i32
      %add3A_198 = vector.broadcast %add3A_197 : i32 to vector<16xi32>
      %add3A_199 = arith.addi %iota3A, %add3A_198 : vector<16xi32>
      %min3A_200 = arith.constant 33 : i32
      %min3A_201 = vector.broadcast %min3A_200 : i32 to vector<16xi32>
      %min3A_202 = arith.minsi %add3A_199, %min3A_201 : vector<16xi32>
      %mul3A_203 = arith.constant 16 : i32
      %mul3A_204 = vector.broadcast %mul3A_203 : i32 to vector<16xi32>
      %mul3A_205 = arith.muli %min3A_202, %mul3A_204 : vector<16xi32>
      %add3A_206 = arith.addi %mul3A_205, %add3A_192 : vector<16xi32>
      %gather3A_207 = tpu.vector_load_idx %arg7[%add3A_206, %and3A_196] : memref<544x16xf32, #tpu.memory_space<vmem>>[vector<16xi32>, vector<16xi32>], vector<16xf32>,
      %swap3A_208 = arith.index_cast %scan3A_188 : i32 to index
      %swap3A_209 = arith.constant 0 : index
      %swap3A_210 = tpu.vector_load %arg8[%swap3A_208, %swap3A_209] {strides = array<i32>} : memref<16x128xf32, #tpu.memory_space<vmem>>, vector<16xf32>,
      tpu.vector_store %arg8[%swap3A_208, %swap3A_209], %gather3A_207 {strides = array<i32>} : memref<16x128xf32, #tpu.memory_space<vmem>>, vector<16xf32>,
      %add3A_211 = arith.constant 16 : i32
      %add3A_212 = vector.broadcast %add3A_211 : i32 to vector<16xi32>
      %add3A_213 = arith.addi %iota3A, %add3A_212 : vector<16xi32>
      %min3A_214 = arith.constant 33 : i32
      %min3A_215 = vector.broadcast %min3A_214 : i32 to vector<16xi32>
      %min3A_216 = arith.minsi %add3A_213, %min3A_215 : vector<16xi32>
      %mul3A_217 = arith.constant 16 : i32
      %mul3A_218 = vector.broadcast %mul3A_217 : i32 to vector<16xi32>
      %mul3A_219 = arith.muli %min3A_216, %mul3A_218 : vector<16xi32>
      %add3A_220 = arith.addi %mul3A_219, %add3A_192 : vector<16xi32>
      %gather3A_221 = tpu.vector_load_idx %arg7[%add3A_220, %and3A_196] : memref<544x16xf32, #tpu.memory_space<vmem>>[vector<16xi32>, vector<16xi32>], vector<16xf32>,
      %swap3A_222 = arith.index_cast %scan3A_188 : i32 to index
      %swap3A_223 = arith.constant 16 : index
      %swap3A_224 = tpu.vector_load %arg8[%swap3A_222, %swap3A_223] {strides = array<i32>} : memref<16x128xf32, #tpu.memory_space<vmem>>, vector<16xf32>,
      tpu.vector_store %arg8[%swap3A_222, %swap3A_223], %gather3A_221 {strides = array<i32>} : memref<16x128xf32, #tpu.memory_space<vmem>>, vector<16xf32>,
      %add3A_225 = arith.constant 32 : i32
      %add3A_226 = vector.broadcast %add3A_225 : i32 to vector<16xi32>
      %add3A_227 = arith.addi %iota3A, %add3A_226 : vector<16xi32>
      %min3A_228 = arith.constant 33 : i32
      %min3A_229 = vector.broadcast %min3A_228 : i32 to vector<16xi32>
      %min3A_230 = arith.minsi %add3A_227, %min3A_229 : vector<16xi32>
      %mul3A_231 = arith.constant 16 : i32
      %mul3A_232 = vector.broadcast %mul3A_231 : i32 to vector<16xi32>
      %mul3A_233 = arith.muli %min3A_230, %mul3A_232 : vector<16xi32>
      %add3A_234 = arith.addi %mul3A_233, %add3A_192 : vector<16xi32>
      %gather3A_235 = tpu.vector_load_idx %arg7[%add3A_234, %and3A_196] : memref<544x16xf32, #tpu.memory_space<vmem>>[vector<16xi32>, vector<16xi32>], vector<16xf32>,
      %swap3A_236 = arith.index_cast %scan3A_188 : i32 to index
      %swap3A_237 = arith.constant 32 : index
      %swap3A_238 = tpu.vector_load %arg8[%swap3A_236, %swap3A_237] {strides = array<i32>} : memref<16x128xf32, #tpu.memory_space<vmem>>, vector<16xf32>,
      tpu.vector_store %arg8[%swap3A_236, %swap3A_237], %gather3A_235 {strides = array<i32>} : memref<16x128xf32, #tpu.memory_space<vmem>>, vector<16xf32>,
      %scan3A_239 = arith.constant 2 : i32
      %scan3A_240 = arith.addi %scan3A_139, %scan3A_239 : i32
      %broadcast_in_dim3A_241 = arith.constant 0 : i32
      %broadcast_in_dim3A_242 = vector.broadcast %broadcast_in_dim3A_241 : i32 to vector<16xi32>
      %add3A_243 = vector.broadcast %scan3A_240 : i32 to vector<16xi32>
      %add3A_244 = arith.addi %broadcast_in_dim3A_242, %add3A_243 : vector<16xi32>
      %gather3A_245 = tpu.vector_load_idx %arg5[%add3A_244] : memref<16xi32, #tpu.memory_space<vmem>>[vector<16xi32>], vector<16xi32>,
      %and3A_246 = arith.constant 15 : i32
      %and3A_247 = vector.broadcast %and3A_246 : i32 to vector<16xi32>
      %and3A_248 = arith.andi %gather3A_245, %and3A_247 : vector<16xi32>
      %add3A_249 = arith.constant 0 : i32
      %add3A_250 = vector.broadcast %add3A_249 : i32 to vector<16xi32>
      %add3A_251 = arith.addi %iota3A, %add3A_250 : vector<16xi32>
      %min3A_252 = arith.constant 33 : i32
      %min3A_253 = vector.broadcast %min3A_252 : i32 to vector<16xi32>
      %min3A_254 = arith.minsi %add3A_251, %min3A_253 : vector<16xi32>
      %mul3A_255 = arith.constant 16 : i32
      %mul3A_256 = vector.broadcast %mul3A_255 : i32 to vector<16xi32>
      %mul3A_257 = arith.muli %min3A_254, %mul3A_256 : vector<16xi32>
      %add3A_258 = arith.addi %mul3A_257, %add3A_244 : vector<16xi32>
      %gather3A_259 = tpu.vector_load_idx %arg7[%add3A_258, %and3A_248] : memref<544x16xf32, #tpu.memory_space<vmem>>[vector<16xi32>, vector<16xi32>], vector<16xf32>,
      %swap3A_260 = arith.index_cast %scan3A_240 : i32 to index
      %swap3A_261 = arith.constant 0 : index
      %swap3A_262 = tpu.vector_load %arg8[%swap3A_260, %swap3A_261] {strides = array<i32>} : memref<16x128xf32, #tpu.memory_space<vmem>>, vector<16xf32>,
      tpu.vector_store %arg8[%swap3A_260, %swap3A_261], %gather3A_259 {strides = array<i32>} : memref<16x128xf32, #tpu.memory_space<vmem>>, vector<16xf32>,
      %add3A_263 = arith.constant 16 : i32
      %add3A_264 = vector.broadcast %add3A_263 : i32 to vector<16xi32>
      %add3A_265 = arith.addi %iota3A, %add3A_264 : vector<16xi32>
      %min3A_266 = arith.constant 33 : i32
      %min3A_267 = vector.broadcast %min3A_266 : i32 to vector<16xi32>
      %min3A_268 = arith.minsi %add3A_265, %min3A_267 : vector<16xi32>
      %mul3A_269 = arith.constant 16 : i32
      %mul3A_270 = vector.broadcast %mul3A_269 : i32 to vector<16xi32>
      %mul3A_271 = arith.muli %min3A_268, %mul3A_270 : vector<16xi32>
      %add3A_272 = arith.addi %mul3A_271, %add3A_244 : vector<16xi32>
      %gather3A_273 = tpu.vector_load_idx %arg7[%add3A_272, %and3A_248] : memref<544x16xf32, #tpu.memory_space<vmem>>[vector<16xi32>, vector<16xi32>], vector<16xf32>,
      %swap3A_274 = arith.index_cast %scan3A_240 : i32 to index
      %swap3A_275 = arith.constant 16 : index
      %swap3A_276 = tpu.vector_load %arg8[%swap3A_274, %swap3A_275] {strides = array<i32>} : memref<16x128xf32, #tpu.memory_space<vmem>>, vector<16xf32>,
      tpu.vector_store %arg8[%swap3A_274, %swap3A_275], %gather3A_273 {strides = array<i32>} : memref<16x128xf32, #tpu.memory_space<vmem>>, vector<16xf32>,
      %add3A_277 = arith.constant 32 : i32
      %add3A_278 = vector.broadcast %add3A_277 : i32 to vector<16xi32>
      %add3A_279 = arith.addi %iota3A, %add3A_278 : vector<16xi32>
      %min3A_280 = arith.constant 33 : i32
      %min3A_281 = vector.broadcast %min3A_280 : i32 to vector<16xi32>
      %min3A_282 = arith.minsi %add3A_279, %min3A_281 : vector<16xi32>
      %mul3A_283 = arith.constant 16 : i32
      %mul3A_284 = vector.broadcast %mul3A_283 : i32 to vector<16xi32>
      %mul3A_285 = arith.muli %min3A_282, %mul3A_284 : vector<16xi32>
      %add3A_286 = arith.addi %mul3A_285, %add3A_244 : vector<16xi32>
      %gather3A_287 = tpu.vector_load_idx %arg7[%add3A_286, %and3A_248] : memref<544x16xf32, #tpu.memory_space<vmem>>[vector<16xi32>, vector<16xi32>], vector<16xf32>,
      %swap3A_288 = arith.index_cast %scan3A_240 : i32 to index
      %swap3A_289 = arith.constant 32 : index
      %swap3A_290 = tpu.vector_load %arg8[%swap3A_288, %swap3A_289] {strides = array<i32>} : memref<16x128xf32, #tpu.memory_space<vmem>>, vector<16xf32>,
      tpu.vector_store %arg8[%swap3A_288, %swap3A_289], %gather3A_287 {strides = array<i32>} : memref<16x128xf32, #tpu.memory_space<vmem>>, vector<16xf32>,
      %scan3A_291 = arith.constant 3 : i32
      %scan3A_292 = arith.addi %scan3A_139, %scan3A_291 : i32
      %broadcast_in_dim3A_293 = arith.constant 0 : i32
      %broadcast_in_dim3A_294 = vector.broadcast %broadcast_in_dim3A_293 : i32 to vector<16xi32>
      %add3A_295 = vector.broadcast %scan3A_292 : i32 to vector<16xi32>
      %add3A_296 = arith.addi %broadcast_in_dim3A_294, %add3A_295 : vector<16xi32>
      %gather3A_297 = tpu.vector_load_idx %arg5[%add3A_296] : memref<16xi32, #tpu.memory_space<vmem>>[vector<16xi32>], vector<16xi32>,
      %and3A_298 = arith.constant 15 : i32
      %and3A_299 = vector.broadcast %and3A_298 : i32 to vector<16xi32>
      %and3A_300 = arith.andi %gather3A_297, %and3A_299 : vector<16xi32>
      %add3A_301 = arith.constant 0 : i32
      %add3A_302 = vector.broadcast %add3A_301 : i32 to vector<16xi32>
      %add3A_303 = arith.addi %iota3A, %add3A_302 : vector<16xi32>
      %min3A_304 = arith.constant 33 : i32
      %min3A_305 = vector.broadcast %min3A_304 : i32 to vector<16xi32>
      %min3A_306 = arith.minsi %add3A_303, %min3A_305 : vector<16xi32>
      %mul3A_307 = arith.constant 16 : i32
      %mul3A_308 = vector.broadcast %mul3A_307 : i32 to vector<16xi32>
      %mul3A_309 = arith.muli %min3A_306, %mul3A_308 : vector<16xi32>
      %add3A_310 = arith.addi %mul3A_309, %add3A_296 : vector<16xi32>
      %gather3A_311 = tpu.vector_load_idx %arg7[%add3A_310, %and3A_300] : memref<544x16xf32, #tpu.memory_space<vmem>>[vector<16xi32>, vector<16xi32>], vector<16xf32>,
      %swap3A_312 = arith.index_cast %scan3A_292 : i32 to index
      %swap3A_313 = arith.constant 0 : index
      %swap3A_314 = tpu.vector_load %arg8[%swap3A_312, %swap3A_313] {strides = array<i32>} : memref<16x128xf32, #tpu.memory_space<vmem>>, vector<16xf32>,
      tpu.vector_store %arg8[%swap3A_312, %swap3A_313], %gather3A_311 {strides = array<i32>} : memref<16x128xf32, #tpu.memory_space<vmem>>, vector<16xf32>,
      %add3A_315 = arith.constant 16 : i32
      %add3A_316 = vector.broadcast %add3A_315 : i32 to vector<16xi32>
      %add3A_317 = arith.addi %iota3A, %add3A_316 : vector<16xi32>
      %min3A_318 = arith.constant 33 : i32
      %min3A_319 = vector.broadcast %min3A_318 : i32 to vector<16xi32>
      %min3A_320 = arith.minsi %add3A_317, %min3A_319 : vector<16xi32>
      %mul3A_321 = arith.constant 16 : i32
      %mul3A_322 = vector.broadcast %mul3A_321 : i32 to vector<16xi32>
      %mul3A_323 = arith.muli %min3A_320, %mul3A_322 : vector<16xi32>
      %add3A_324 = arith.addi %mul3A_323, %add3A_296 : vector<16xi32>
      %gather3A_325 = tpu.vector_load_idx %arg7[%add3A_324, %and3A_300] : memref<544x16xf32, #tpu.memory_space<vmem>>[vector<16xi32>, vector<16xi32>], vector<16xf32>,
      %swap3A_326 = arith.index_cast %scan3A_292 : i32 to index
      %swap3A_327 = arith.constant 16 : index
      %swap3A_328 = tpu.vector_load %arg8[%swap3A_326, %swap3A_327] {strides = array<i32>} : memref<16x128xf32, #tpu.memory_space<vmem>>, vector<16xf32>,
      tpu.vector_store %arg8[%swap3A_326, %swap3A_327], %gather3A_325 {strides = array<i32>} : memref<16x128xf32, #tpu.memory_space<vmem>>, vector<16xf32>,
      %add3A_329 = arith.constant 32 : i32
      %add3A_330 = vector.broadcast %add3A_329 : i32 to vector<16xi32>
      %add3A_331 = arith.addi %iota3A, %add3A_330 : vector<16xi32>
      %min3A_332 = arith.constant 33 : i32
      %min3A_333 = vector.broadcast %min3A_332 : i32 to vector<16xi32>
      %min3A_334 = arith.minsi %add3A_331, %min3A_333 : vector<16xi32>
      %mul3A_335 = arith.constant 16 : i32
      %mul3A_336 = vector.broadcast %mul3A_335 : i32 to vector<16xi32>
      %mul3A_337 = arith.muli %min3A_334, %mul3A_336 : vector<16xi32>
      %add3A_338 = arith.addi %mul3A_337, %add3A_296 : vector<16xi32>
      %gather3A_339 = tpu.vector_load_idx %arg7[%add3A_338, %and3A_300] : memref<544x16xf32, #tpu.memory_space<vmem>>[vector<16xi32>, vector<16xi32>], vector<16xf32>,
      %swap3A_340 = arith.index_cast %scan3A_292 : i32 to index
      %swap3A_341 = arith.constant 32 : index
      %swap3A_342 = tpu.vector_load %arg8[%swap3A_340, %swap3A_341] {strides = array<i32>} : memref<16x128xf32, #tpu.memory_space<vmem>>, vector<16xf32>,
      tpu.vector_store %arg8[%swap3A_340, %swap3A_341], %gather3A_339 {strides = array<i32>} : memref<16x128xf32, #tpu.memory_space<vmem>>, vector<16xf32>,
    }
    %scan3A_136 = arith.constant 16 : i32
    %mul3A_137 = arith.constant 16 : i32
    %mul3A_138 = arith.muli %add3A, %mul3A_137 : i32
    "tpu.region"() ({
      %run_scoped3A = tpu.sem_alloc : memref<!tpu.dma_semaphore, #tpu.memory_space<semaphore_mem>>
      %dma_start3A_139 = arith.constant 0 : i32
      %dma_start3A_140 = tpu.memref_slice %arg4[%mul3A_138, %dma_start3A_139] : memref<512x128xf32, #tpu.memory_space<hbm>> -> memref<16x128xf32, #tpu.memory_space<hbm>>
      %dma_start3A_141 = arith.constant 0 : i32
      %dma_start3A_142 = tpu.memref_slice %arg4[%mul3A_138, %dma_start3A_141] : memref<512x128xf32, #tpu.memory_space<hbm>> -> memref<16x128xf32, #tpu.memory_space<hbm>>
      tpu.enqueue_dma source(%arg8 : memref<16x128xf32, #tpu.memory_space<vmem>>) target(%dma_start3A_142 : memref<16x128xf32, #tpu.memory_space<hbm>>) target_semaphore(%run_scoped3A : memref<!tpu.dma_semaphore, #tpu.memory_space<semaphore_mem>>)
      %dma_wait3A_143 = arith.constant 0 : i32
      %dma_wait3A_144 = tpu.memref_slice %arg4[%mul3A_138, %dma_wait3A_143] : memref<512x128xf32, #tpu.memory_space<hbm>> -> memref<16x128xf32, #tpu.memory_space<hbm>>
      %dma_wait3A_145 = arith.constant 0 : i32
      %dma_wait3A_146 = tpu.memref_slice %arg4[%mul3A_138, %dma_wait3A_145] : memref<512x128xf32, #tpu.memory_space<hbm>> -> memref<16x128xf32, #tpu.memory_space<hbm>>
      tpu.wait_dma2 semaphore(%run_scoped3A : memref<!tpu.dma_semaphore, #tpu.memory_space<semaphore_mem>>) src(%arg8 : memref<16x128xf32, #tpu.memory_space<vmem>>) dst(%dma_wait3A_146 : memref<16x128xf32, #tpu.memory_space<hbm>>)
      tpu.yield
    }) : () -> ()
    return
  }
}

module attributes {stable_mosaic.version = 14 : i64} {
  func.func @_reduce_tc(%arg0: memref<512x128xf32, #tpu.memory_space<vmem>>, %arg1: memref<16x32x34xf32, #tpu.memory_space<vmem>>, %arg2: memref<16x32x34xf32, #tpu.memory_space<vmem>>, %arg3: memref<1x1xf32, #tpu.memory_space<smem>>) attributes {dimension_semantics = [], scalar_prefetch = 0 : i64, scratch_operands = 0 : i64, tpu.core_type = #tpu.core_type<tc>} {
    %get3A = arith.constant 0 : index
    %get3A_0 = arith.constant 0 : index
    %get3A_1 = vector.load %arg0[%get3A, %get3A_0] : memref<512x128xf32, #tpu.memory_space<vmem>>, vector<512x128xf32>
    %slice3A = vector.extract_strided_slice %get3A_1 {offsets = [0, 0], sizes = [512, 34], strides = [1, 1]} : vector<512x128xf32> to vector<512x34xf32>
    %reshape3A = vector.shape_cast %slice3A : vector<512x34xf32> to vector<16x32x34xf32>
    %get3A_2 = arith.constant 0 : index
    %get3A_3 = arith.constant 0 : index
    %get3A_4 = arith.constant 0 : index
    %get3A_5 = vector.load %arg1[%get3A_2, %get3A_3, %get3A_4] : memref<16x32x34xf32, #tpu.memory_space<vmem>>, vector<16x32x34xf32>
    %get3A_6 = arith.constant 0 : index
    %get3A_7 = arith.constant 0 : index
    %get3A_8 = arith.constant 0 : index
    %get3A_9 = vector.load %arg2[%get3A_6, %get3A_7, %get3A_8] : memref<16x32x34xf32, #tpu.memory_space<vmem>>, vector<16x32x34xf32>
    %mul3A = arith.mulf %reshape3A, %get3A_5 : vector<16x32x34xf32>
    %mul3A_10 = arith.mulf %get3A_9, %get3A_5 : vector<16x32x34xf32>
    %sub3A = arith.subf %mul3A, %mul3A_10 : vector<16x32x34xf32>
    %abs3A = math.absf %sub3A : vector<16x32x34xf32>
    %reduce_sum3A = vector.shape_cast %abs3A : vector<16x32x34xf32> to vector<1x16x32x34xf32>
    %reduce_sum3A_11 = arith.constant dense<0.000000e+00> : vector<1xf32>
    %reduce_sum3A_12 = vector.multi_reduction <add>, %reduce_sum3A, %reduce_sum3A_11 [1, 2, 3] : vector<1x16x32x34xf32> to vector<1xf32>
    %reduce_sum3A_13 = vector.shape_cast %reduce_sum3A_12 : vector<1xf32> to vector<1x1x1x1xf32>
    %reduce_sum3A_14 = vector.extract %reduce_sum3A_13[0, 0, 0, 0] : f32 from vector<1x1x1x1xf32>
    %reduce_sum3A_15 = vector.shape_cast %get3A_5 : vector<16x32x34xf32> to vector<1x16x32x34xf32>
    %reduce_sum3A_16 = arith.constant dense<0.000000e+00> : vector<1xf32>
    %reduce_sum3A_17 = vector.multi_reduction <add>, %reduce_sum3A_15, %reduce_sum3A_16 [1, 2, 3] : vector<1x16x32x34xf32> to vector<1xf32>
    %reduce_sum3A_18 = vector.shape_cast %reduce_sum3A_17 : vector<1xf32> to vector<1x1x1x1xf32>
    %reduce_sum3A_19 = vector.extract %reduce_sum3A_18[0, 0, 0, 0] : f32 from vector<1x1x1x1xf32>
    %add3A = arith.constant 9.99999974E-5 : f32
    %add3A_20 = arith.addf %reduce_sum3A_19, %add3A : f32
    %div3A = arith.divf %reduce_sum3A_14, %add3A_20 : f32
    %swap3A = arith.constant 0 : index
    %swap3A_21 = arith.constant 0 : index
    %swap3A_22 = memref.load %arg3[%swap3A, %swap3A_21] : memref<1x1xf32, #tpu.memory_space<smem>>
    memref.store %div3A, %arg3[%swap3A, %swap3A_21] : memref<1x1xf32, #tpu.memory_space<smem>>
    return
  }
}

</mosaic_0001>

<sc_bundles>
// kernel: kernel.4.cloned.1.call-start
scs
__scs_entry_jumppad:
0x0: {  	(pc) =	sbr.rel $0x88, $3  }
0x1: {  	(tag) =	ssettag $0x0;
	lr =	simm.s32 $0x1  }
0x2: {  	[smem:$0x3F9D] =	sst lr;
	_ =	strace $0xD0000000  }
0x3: {  	_ = 	snop  }
0x4: {  	_ = 	snop  }
0x5: {  	_ = 	snop  }
0x6: {  	_ = 	snop  }
0x7: {  	_ = 	snop  }
__scs_overlays_trampoline_lowered:
0x8: {  	[smem:$0x3FAC] =	sst s0  }
0x9: {  	[smem:$0x3FAD] =	sst s1  }
0xa: {  	[smem:$0x3FAE] =	sst s2  }
0xb: {  	[smem:$0x3FAF] =	sst s3  }
0xc: {  	[smem:$0x3FB0] =	sst s4  }
0xd: {  	[smem:$0x3FB1] =	sst s5  }
0xe: {  	[smem:$0x3FB2] =	sst s6  }
0xf: {  	[smem:$0x3FB3] =	sst s7  }
0x10: {  	[smem:$0x3FB4] =	sst s8  }
0x11: {  	[smem:$0x3FB5] =	sst s9;
	s0 =	simm.s32 @!p0 $0x0  }
0x12: {  	s1 =	sld [smem:$0x3F9B];
	s0 =	simm.s32 @p0 $0x1  }
0x13: {  	[smem:$0x3FB6] =	sst s0;
	s0 =	simm.s32 @!p1 $0x0  }
0x14: {  	s2 =	sld [smem:$0x3F9A];
	s0 =	simm.s32 @p1 $0x1  }
0x15: {  	[smem:$0x3FB7] =	sst s0;
	s0 =	simm.s32 @!p2 $0x0  }
0x16: {  	s3 =	sld [smem:$0x3FDB];
	s0 =	simm.s32 @p2 $0x1  }
0x17: {  	s4 =	simm.s32 $0x1BF5;
	[smem:$0x3FB9] =	sst s0  }
0x18: {  	s0 =	sld [smem:$0x3F9C];
	_ =	swait.ge [sflag:s4], $0x0  }
0x19: {  	s7 =	sld [smem:$0x3F9D]  }
0x1a: {  	s8 =	sadd.s32 $0xFFFFE003, lr  }
0x1b: {  	s9 =	sadd.s32 $0xFFFFFEF7, lr;
	s5 =	simm.s32 $0xFFFFFFFF;
	p2 =	slt.u32 s8, $0xFFFFF086  }
0x1c: {  	p1 =	slt.u32 s9, $0xF7A;
	s5 =	simm.s32 @!p2 $0x0  }
0x1d: {  	s5 =	simm.s32 @p1 $0x1;
	p0 =	seq.s32 s7, s2  }
0x1e: {  	s7 =	smul.u32 @!p0 $0xF7A, s2;
	p2 =	seq.s32 @!p0 s5, $0x0  }
0x1f: {  	s9 =	smul.u32 $0xF7A, s1;
	s8 =	simm.s32 @!p0 $0x1BF5;
	p2 =	por !p2, p0  }
0x20: {  	[sflag:s8] =	ssyncset.s32 @!p0 $0xFFFFF086;
	s6 =	sadd.s32 @!p0 s3, s7;
	s7 =	simm.s32 @!p0 $0x108  }
0x21: {  	s3 =	sadd.s32 s3, s9;
	s6 =	sadd.s32 @!p0 $0x88, s6;
	s7 =	simm.s32 @p2 $0x1082  }
0x22: {  	[simem:s7], [sflag:s8] =	dma.local @!p0 [hbm:s6], $0xF7A  }
0x23: {  	s9 =	sor.u32 $0xD0000000, s2;
	s6 =	simm.s32 $0x108;
	_ =	swait.ge @!p0 [sflag:s8], $0x0  }
0x24: {  	s3 =	sadd.s32 $0x88, s3;
	s6 =	simm.s32 @!p1 $0x1082;
	[sflag:s4] =	ssyncset.s32 $0xFFFFF086  }
0x25: {  	[simem:s6], [sflag:s4] =	dma.local [hbm:s3], $0xF7A  }
0x26: {  	[smem:$0x3F9D] =	sst s1;
	(tag) =	ssettag s2;
	_ =	strace s9  }
0x27: {  	s1 =	sld [smem:$0x3FAD]  }
0x28: {  	s2 =	sld [smem:$0x3FAE]  }
0x29: {  	s4 =	sld [smem:$0x3FB0]  }
0x2a: {  	p0 =	seq.s32 s5, $0x0;
	s5 =	sld [smem:$0x3FB1]  }
0x2b: {  	s6 =	sld [smem:$0x3FB2]  }
0x2c: {  	s7 =	sld [smem:$0x3FB3]  }
0x2d: {  	s3 =	simm.s32 $0x108;
	s8 =	sld [smem:$0x3FB4]  }
0x2e: {  	s3 =	simm.s32 @!p0 $0x1082;
	s9 =	sld [smem:$0x3FB5]  }
0x2f: {  	lr =	sadd.s32 s0, s3;
	s0 =	sld [smem:$0x3FAC]  }
0x30: {  	s3 =	sld [smem:$0x3FAF]  }
0x31: {  	[smem:$0x3FB8] =	sst s10  }
0x32: {  	s10 =	sld [smem:$0x3FB6];
	_ =	sdelay $0x3  }
0x33: {  	p0 =	seq.s32 s10, $0x1;
	s10 =	sld [smem:$0x3FB8];
	_ =	sdelay $0x3  }
0x34: {  	[smem:$0x3FB8] =	sst s10  }
0x35: {  	s10 =	sld [smem:$0x3FB7];
	_ =	sdelay $0x3  }
0x36: {  	p1 =	seq.s32 s10, $0x1;
	s10 =	sld [smem:$0x3FB8];
	_ =	sdelay $0x3  }
0x37: {  	[smem:$0x3FB8] =	sst s10  }
0x38: {  	s10 =	sld [smem:$0x3FB9]  }
0x39: {  	_ = 	snop;
	(pc) =	sbr.ind lr, $3  }
0x3a: {  	_ = 	snop  }
0x3b: {  	_ = 	snop  }
0x3c: {  	p2 =	seq.s32 s10, $0x1;
	s10 =	sld [smem:$0x3FB8]  }
0x3d: {  	_ =	shalt  }
0x3e: {  	_ =	shalt  }
0x3f: {  	_ =	shalt  }
0x40: {  	_ =	shalt  }
0x41: {  	_ =	shalt  }
0x42: {  	_ =	shalt  }
0x43: {  	_ =	shalt  }
0x44: {  	_ =	shalt  }
0x45: {  	_ =	shalt  }
0x46: {  	_ =	shalt  }
0x47: {  	_ =	shalt  }
0x48: {  	_ =	shalt  }
0x49: {  	_ =	shalt  }
0x4a: {  	_ =	shalt  }
0x4b: {  	_ =	shalt  }
0x4c: {  	_ =	shalt  }
0x4d: {  	_ =	shalt  }
0x4e: {  	_ =	shalt  }
0x4f: {  	_ =	shalt  }
0x50: {  	_ =	shalt  }
0x51: {  	_ =	shalt  }
0x52: {  	_ =	shalt  }
0x53: {  	_ =	shalt  }
0x54: {  	_ =	shalt  }
0x55: {  	_ =	shalt  }
0x56: {  	_ =	shalt  }
0x57: {  	_ =	shalt  }
0x58: {  	_ =	shalt  }
0x59: {  	_ =	shalt  }
0x5a: {  	_ =	shalt  }
0x5b: {  	_ =	shalt  }
0x5c: {  	_ =	shalt  }
0x5d: {  	_ =	shalt  }
0x5e: {  	_ =	shalt  }
0x5f: {  	_ =	shalt  }
0x60: {  	_ =	shalt  }
0x61: {  	_ =	shalt  }
0x62: {  	_ =	shalt  }
0x63: {  	_ =	shalt  }
0x64: {  	_ =	shalt  }
0x65: {  	_ =	shalt  }
0x66: {  	_ =	shalt  }
0x67: {  	_ =	shalt  }
0x68: {  	_ =	shalt  }
0x69: {  	_ =	shalt  }
0x6a: {  	_ =	shalt  }
0x6b: {  	_ =	shalt  }
0x6c: {  	_ =	shalt  }
0x6d: {  	_ =	shalt  }
0x6e: {  	_ =	shalt  }
0x6f: {  	_ =	shalt  }
0x70: {  	_ =	shalt  }
0x71: {  	_ =	shalt  }
0x72: {  	_ =	shalt  }
0x73: {  	_ =	shalt  }
0x74: {  	_ =	shalt  }
0x75: {  	_ =	shalt  }
0x76: {  	_ =	shalt  }
0x77: {  	_ =	shalt  }
0x78: {  	_ =	shalt  }
0x79: {  	_ =	shalt  }
0x7a: {  	_ =	shalt  }
0x7b: {  	_ =	shalt  }
0x7c: {  	_ =	shalt  }
0x7d: {  	_ =	shalt  }
0x7e: {  	_ =	shalt  }
0x7f: {  	_ =	shalt  }
0x80: {  	_ =	shalt  }
0x81: {  	_ =	shalt  }
0x82: {  	_ =	shalt  }
0x83: {  	_ =	shalt  }
0x84: {  	_ =	shalt  }
0x85: {  	_ =	shalt  }
0x86: {  	_ =	shalt  }
0x87: {  	_ =	shalt  }
.Lfunc_end0:
.L_simem_size_0:
called_computation_lowered:
.L_overlay_start_0:
0x88: {  	s2 =	sld [smem:$0x3FD9]  }
0x89: {  	s3 =	sld [smem:$0x3FFE];
	_ =	sdelay $0x1  }
0x8a: {  	s1 =	srdreg.scid  }
0x8b: {  	s0 =	sand.u32 $0x1, s1  }
0x8c: {  	s17 =	sshll.u32 s0, $0xA;
	s2 =	sadd.s32 s3, s2  }
0x8d: {  	s2 =	sadd.s32 s2, s17  }
0x8e: {  	[smem:$0x3FC4] =	sst s2  }
0x8f: {  	_ = 	snop  }
0x90: {  	s2 =	sld [smem:$0x3FC9];
	(tm) =	ssettm $0x1  }
0x91: {  	s18 =	sld [smem:$0x3FFB];
	_ =	sdelay $0x3  }
0x92: {  	_ =	strace s18  }
0x93: {  	s3 =	sld [smem:$0x3FFC];
	_ =	sdelay $0x3  }
0x94: {  	_ =	strace s3  }
0x95: {  	s3 =	sld [smem:$0x3FFD];
	_ =	sdelay $0x3  }
0x96: {  	_ =	strace s3  }
0x97: {  	_ =	strace $0x8FFFFFFF  }
0x98: {  	s19 =	sld [smem:$0x3FDB];
	_ =	sdelay $0x1  }
0x99: {  	s4 =	simm.s32 $_scs_section_size  }
0x9a: {  	s5 =	simm.s32 $_size__tile_overlayer_lowered;
	s6 =	simm.s32 $_tile_overlayer_lowered  }
0x9b: {  	s22 =	simm.s32 $0x1BFF;
	s21 =	sshll.u32 s6, $0x1;
	s3 =	sadd.s32 s4, s19  }
0x9c: {  	s7 =	simm.s32 $0x0;
	s20 =	sshll.u32 s5, $0x1;
	s5 =	sadd.s32 s21, s3  }
0x9d: {  	[timem:s7], [sflag:s22] =	dma.local [hbm:s5], s20  }
0x9e: {  	_ =	swait.ge [sflag:s22], s20  }
0x9f: {  	s4 =	ssub.s32 $0x0, s20;
	[sflag:s22] =	ssyncset.done $0x0  }
0xa0: {  	[sflag:s22] =	ssyncadd.s32 s4;
	_ =	sdelay $0x1  }
0xa1: {  	s23 =	simm.s32 $0x1B8B  }
0xa2: {  	_ =	swait.ge [sflag:s23], $0x1  }
0xa3: {  	[sflag:s23] =	ssyncset.done $0x0  }
0xa4: {  	s25 =	simm.s32 $0x1B8E;
	s24 =	sld [smem:$0x3FFE];
	[sflag:s23] =	ssyncadd.s32 $0xFFFFFFFF  }
0xa5: {  	s26 =	simm.s32 $execute0_lowered;
	[smem:$0x3FD2] =	sst s25  }
0xa6: {  	s5 =	sshll.u32 s26, $0x1;
	_ =	strace $0x80000046;
	[dreg:$0x1] =	wrdreg $0xFFFFFFFF  }
0xa7: {  	s28 =	simm.s32 $_size_execute0_lowered;
	s3 =	sadd.s32 s3, s5;
	[dreg:$0x0] =	wrdreg $0x0  }
0xa8: {  	s5 =	sshll.u32 s28, $0x1;
	[dreg:$0x2] =	wrdreg s3  }
0xa9: {  	[dreg:$0x3] =	wrdreg s5  }
0xaa: {  	[dreg:$0x4] =	wrdreg $0xC0  }
0xab: {  	_ =	task [dreg:s7], $0x5FFFF  }
0xac: {  	[dreg:$0x1] =	wrdreg $0xFFFFFFFF  }
0xad: {  	[dreg:$0x0] =	wrdreg $0x60  }
0xae: {  	[dreg:$0x2] =	wrdreg s2  }
0xaf: {  	[dreg:$0x3] =	wrdreg s24  }
0xb0: {  	[dreg:$0x4] =	wrdreg $0x9  }
0xb1: {  	_ =	task.clear_ibuf [dreg:s7], $0x5FFFF;
	_ =	strace $0x90000046  }
0xb2: {  	s29 =	simm.s32 $0x9;
	_ =	strace $0x80000048  }
0xb3: {  	_ =	swait.ge [sflag:s29], $0x1  }
0xb4: {  	[sflag:s29] =	ssyncadd.s32 $0xFFFFFFFF  }
0xb5: {  	_ =	strace $0x90000048  }
0xb6: {  	_ =	sfence  }
0xb7: {  	s30 =	sld [smem:$0x0];
	_ =	sdelay $0x2  }
0xb8: {  	s31 =	sshll.u32 s1, $0xD;
	s1 =	sshrl.u32 s1, $0x2  }
0xb9: {  	s3 =	sand.u32 $0x4000, s31;
	s1 =	sadd.s32 s1, s30  }
0xba: {  	s0 =	sor.u32 s3, s0;
	s1 =	sshll.u32 s1, $0x11  }
0xbb: {  	s0 =	sor.u32 s1, s0  }
0xbc: {  	s0 =	sadd.s32 $0x8F2B, s0  }
0xbd: {  	[sflag:s0] =	ssyncadd.remote.s32 $0x1  }
0xbe: {  	_ =	sfence.sel $0xFFFF  }
0xbf: {  	[dreg:$0x0] =	wrdreg $0xFFFFFFFF;
	(pc) =	sbr.abs _section_cstart, $3  }
0xc0: {  	[dreg:$0x1] =	wrdreg $0xFFFFFFFF  }
0xc1: {  	_ =	task.clear_ibuf [dreg:s7], $0x2FFFF;
	_ =	strace $0x9FFFFFFF  }
0xc2: {  	(tm) =	ssettm $0x7FFFFFFF  }
0xc3: {  	_ =	shalt  }
tec
execute0_lowered:
.L_overlay_start_1:
0x0: {  	(tag) =	ssettag $0x1  }
0x1: {  	s0 =	srdreg.scid;
	s2 =	rddreg [dreg:$0x0]  }
0x2: {  	s5 =	rddreg [dreg:$0x1];
	s1 =	stileid.u32;
	s3 =	simm.s32 $0x0  }
0x3: {  	s11 =	simm.s32 $0x230;
	s12 =	simm.s32 $0x90;
	s13 =	simm.s32 $0xA30  }
0x4: {  	s14 =	simm.s32 $0x110;
	s15 =	simm.s32 $0x1230;
	s16 =	simm.s32 $0x190  }
0x5: {  	s17 =	simm.s32 $0x1A30;
	s18 =	simm.s32 $0x20;
	s19 =	simm.s32 $0x210  }
0x6: {  	s21 =	simm.s32 $0x2430;
	s4 =	sand.u32 $0x1, s0;
	s0 =	rddreg [dreg:$0x2]  }
0x7: {  	s22 =	simm.s32 $0x0;
	[smem:$0x7FF] =	sst s3;
	s6 =	sshll.u32 s4, $0x4  }
0x8: {  	s8 =	sand.u32 $0x1, s1;
	_ =	strace $0x80000047;
	s6 =	sor.u32 s1, s6  }
0x9: {  	p1 =	seq.s32 s8, $0x1;
	s4 =	ssub.s32 $0x2, s4;
	p0 =	seq.s32 s6, $0x0  }
0xa: {  	s8 =	simm.s32 $0x2;
	s9 =	sshll.u32 s6, $0x8;
	p0 =	por !p0, !p1  }
0xb: {  	s29 =	sadd.s32 s9, s5;
	s9 =	simm.s32 $0x1;
	p0 =	por !p0, !p0  }
0xc: {  	s30 =	sshrl.u32 s4, $0x1;
	s31 =	sshrl.u32 s6, $0x1;
	s9 =	simm.s32 @!p0 $0x0  }
0xd: {  	v0 =	vlaneseq.u32;
	s7 =	sshll.u32 s6, $0x1;
	s10 =	ssub.s32 s4, s30;
	s6 =	ssub.s32 s31, s9  }
0xe: {  	v0 =	vmul.u32 $0x100, v0;
	s4 =	simm.s32 $0x1;
	s7 =	sadd.s32 s7, s5;
	s20 =	smul.u32 $0x88000, s6  }
0xf: {  	v2 =	vimm.s32 $0x2100;
	vm0 =	vcmask $0x300;
	s5 =	sadd.s32 $0xA00, s7;
	s7 =	smax.u32 s10, $0x1;
	s10 =	simm.s32 $0x10  }
0x10: {  	v2 =	vsel vm0, $0x2000, v2;
	v3 =	vor.u32 $0x1000, v0;
	s9 =	simm.s32 $0x80;
	s6 =	sadd.s32 $0xC00, s29;
	v1 =	vmov s20;
	s20 =	simm.s32 $0x2230  }
.LBB2_1:
0x11: {  	[tilespmem:s3], [sflag:$0x2] =	stream.linear.gather [hbm4b:s5+s3], $0x10, $0x38;
	[tilespmem:$0x2C30] =	vst v63  }
0x12: {  	_ =	swait.ge [sflag:s8], $0x10  }
0x13: {  	[sflag:s8] =	ssyncset.done $0x0  }
0x14: {  	[sflag:s8] =	ssyncadd.s32 $0xFFFFFFF0  }
0x15: {  	v4 =	vld [tilespmem:$0x0];
	_ =	sdelay $0x4  }
0x16: {  	v4 =	vadd.s32 v1, v4  }
0x17: {  	s23 =	simm.s32 $0x30;
	v4 =	vshrl.u32 v4, $0x4  }
0x18: {  	s25 =	simm.s32 $0x400;
	s26 =	simm.s32 $0x800;
	s28 =	simm.s32 $0xC00;
	v5 =	vadd.s32 s3, v4  }
0x19: {  	s24 =	simm.s32 $0x0;
	v6 =	vadd.s32 s25, v4;
	v7 =	vadd.s32 s28, v4;
	s25 =	simm.s32 $0x0;
	[tilespmem:s23+$0xFFFFFFE0] =	vst v5;
	v5 =	vadd.s32 s26, v4;
	s26 =	simm.s32 $0x30  }
.LBB2_2:
0x1a: {  	s24 =	sadd.s32 $0x4, s24  }
0x1b: {  	[tilespmem:s23+$0x10] =	vst v7;
	s25 =	sadd.s32 $0x1000, s25;
	s26 =	sadd.s32 $0x40, s26;
	p0 =	slt.u32 s24, $0x1C  }
.Ltmp0:
0x1c: {  	[tilespmem:s23+$0xFFFFFFF0] =	vst v6;
	(pc) =	sbr.rel @p0 .LBB2_2-.Ltmp0, $3  }
0x1d: {  	[tilespmem:s23+$0x0] =	vst v5;
	s23 =	smov.u32 s26;
	_ =	sdelay $0x1  }
0x1e: {  	s28 =	sadd.s32 $0x400, s25;
	s29 =	sadd.s32 $0x800, s25;
	s30 =	sadd.s32 $0xC00, s25;
	v5 =	vadd.s32 s25, v4  }
0x1f: {  	v6 =	vadd.s32 s28, v4;
	v7 =	vadd.s32 s30, v4;
	[tilespmem:s26+$0xFFFFFFE0] =	vst v5;
	v5 =	vadd.s32 s29, v4  }
0x20: {  	[tilespmem:s23+$0x10] =	vst v7  }
0x21: {  	[tilespmem:s23+$0xFFFFFFF0] =	vst v6  }
0x22: {  	[tilespmem:s23+$0x0] =	vst v5;
	v5 =	vadd.s32 $0x8000, v4  }
0x23: {  	v4 =	vadd.s32 $0x8400, v4;
	[tilespmem:$0x210] =	vst v5  }
0x24: {  	[tilespmem:$0x220] =	vst v4  }
0x25: {  	[tilespmem:s11], [sflag:$0x1] =	stream.indirect.gather [hbm4b:s2+s9], $0x10, s10, s9, $0xb8;
	[tilespmem:$0x2C30] =	vst v63  }
0x26: {  	_ = 	snop  }
0x27: {  	[tilespmem:s13], [sflag:$0x1] =	stream.indirect.gather [hbm4b:s2+s9], $0x10, s12, s9, $0xb8;
	[tilespmem:$0x2C30] =	vst v63  }
0x28: {  	_ = 	snop  }
0x29: {  	[tilespmem:s15], [sflag:$0x1] =	stream.indirect.gather [hbm4b:s2+s9], $0x10, s14, s9, $0xb8;
	[tilespmem:$0x2C30] =	vst v63  }
0x2a: {  	_ = 	snop  }
0x2b: {  	[tilespmem:s17], [sflag:$0x1] =	stream.indirect.gather [hbm4b:s2+s9], $0x10, s16, s9, $0xb8;
	[tilespmem:$0x2C30] =	vst v63  }
0x2c: {  	_ = 	snop  }
0x2d: {  	[tilespmem:s20], [sflag:$0x1] =	stream.indirect.gather [hbm4b:s2+s18], $0x10, s19, s18, $0xb8;
	[tilespmem:$0x2C30] =	vst v63  }
0x2e: {  	_ =	swait.ge [sflag:s4], $0x800  }
0x2f: {  	[sflag:s4] =	ssyncset.done $0x0  }
0x30: {  	[sflag:s4] =	ssyncadd.s32 $0xFFFFF800  }
0x31: {  	_ =	swait.ge [sflag:s4], $0x800  }
0x32: {  	[sflag:s4] =	ssyncset.done $0x0  }
0x33: {  	[sflag:s4] =	ssyncadd.s32 $0xFFFFF800  }
0x34: {  	_ =	swait.ge [sflag:s4], $0x800  }
0x35: {  	[sflag:s4] =	ssyncset.done $0x0  }
0x36: {  	[sflag:s4] =	ssyncadd.s32 $0xFFFFF800  }
0x37: {  	_ =	swait.ge [sflag:s4], $0x800  }
0x38: {  	[sflag:s4] =	ssyncset.done $0x0  }
0x39: {  	[sflag:s4] =	ssyncadd.s32 $0xFFFFF800  }
0x3a: {  	_ =	swait.ge [sflag:s4], $0x200  }
0x3b: {  	[sflag:s4] =	ssyncset.done $0x0  }
0x3c: {  	s23 =	simm.s32 $0x0;
	s24 =	simm.s32 $0x2530;
	[sflag:s4] =	ssyncadd.s32 $0xFFFFFE00  }
.LBB2_4:
0x3d: {  	v4 =	vmov s23;
	_ =	sdelay $0x4  }
0x3e: {  	v5 =	vld.idx.msk [tilespmem:v4+s3+$0x0], $0xffff;
	_ =	sdelay $0x3  }
0x3f: {  	v4 =	vshll.u32 v4, $0x4  }
0x40: {  	v7 =	vadd.s32 v0, v4;
	v6 =	vand.u32 $0x8, v5  }
0x41: {  	v5 =	vand.u32 $0x7, v5;
	v7 =	vor.u32 v7, v6  }
0x42: {  	v7 =	vor.u32 v5, v7;
	_ =	sdelay $0x3  }
0x43: {  	v8 =	vadd.s32 v3, v4  }
0x44: {  	v8 =	vor.u32 v8, v6;
	v7 =	vld.idx.msk [tilespmem:v7+s11+$0x0], $0xffff  }
0x45: {  	v8 =	vor.u32 v5, v8;
	_ =	sdelay $0x3  }
0x46: {  	v4 =	vadd.s32 v2, v4;
	[tilespmem:s24+$0xFFFFFF00] =	vst v7  }
0x47: {  	v4 =	vor.u32 v4, v6;
	v7 =	vld.idx.msk [tilespmem:v8+s11+$0x0], $0xffff  }
0x48: {  	v4 =	vor.u32 v5, v4;
	_ =	sdelay $0x3  }
0x49: {  	[tilespmem:s24+$0xFFFFFF10] =	vst v7  }
0x4a: {  	s25 =	sadd.s32 $0x1, s23;
	v4 =	vld.idx.msk [tilespmem:v4+s11+$0x0], $0xffff  }
0x4b: {  	v5 =	vmov s25;
	_ =	sdelay $0x3  }
0x4c: {  	[tilespmem:s24+$0xFFFFFF20] =	vst v4  }
0x4d: {  	v4 =	vld.idx.msk [tilespmem:v5+s3+$0x0], $0xffff;
	_ =	sdelay $0x3  }
0x4e: {  	v5 =	vshll.u32 v5, $0x4  }
0x4f: {  	v56 =	vadd.s32 v0, v5;
	v55 =	vand.u32 $0x8, v4  }
0x50: {  	v4 =	vand.u32 $0x7, v4;
	v7 =	vor.u32 v56, v55  }
0x51: {  	v7 =	vor.u32 v4, v7;
	_ =	sdelay $0x3  }
0x52: {  	v57 =	vadd.s32 v3, v5  }
0x53: {  	v8 =	vor.u32 v57, v55;
	v7 =	vld.idx.msk [tilespmem:v7+s11+$0x0], $0xffff  }
0x54: {  	v8 =	vor.u32 v4, v8;
	_ =	sdelay $0x3  }
0x55: {  	v5 =	vadd.s32 v2, v5;
	[tilespmem:s24+$0xFFFFFF80] =	vst v7  }
0x56: {  	v5 =	vor.u32 v5, v55;
	v7 =	vld.idx.msk [tilespmem:v8+s11+$0x0], $0xffff  }
0x57: {  	v4 =	vor.u32 v4, v5;
	_ =	sdelay $0x3  }
0x58: {  	[tilespmem:s24+$0xFFFFFF90] =	vst v7  }
0x59: {  	s30 =	sadd.s32 $0x2, s23;
	v4 =	vld.idx.msk [tilespmem:v4+s11+$0x0], $0xffff  }
0x5a: {  	v5 =	vmov s30;
	_ =	sdelay $0x3  }
0x5b: {  	[tilespmem:s24+$0xFFFFFFA0] =	vst v4  }
0x5c: {  	v4 =	vld.idx.msk [tilespmem:v5+s3+$0x0], $0xffff;
	_ =	sdelay $0x3  }
0x5d: {  	v5 =	vshll.u32 v5, $0x4  }
0x5e: {  	v59 =	vadd.s32 v0, v5;
	v58 =	vand.u32 $0x8, v4  }
0x5f: {  	v4 =	vand.u32 $0x7, v4;
	v7 =	vor.u32 v59, v58  }
0x60: {  	v7 =	vor.u32 v4, v7;
	_ =	sdelay $0x3  }
0x61: {  	v60 =	vadd.s32 v3, v5  }
0x62: {  	v8 =	vor.u32 v60, v58;
	v7 =	vld.idx.msk [tilespmem:v7+s11+$0x0], $0xffff  }
0x63: {  	v8 =	vor.u32 v4, v8;
	_ =	sdelay $0x3  }
0x64: {  	v5 =	vadd.s32 v2, v5;
	[tilespmem:s24+$0x0] =	vst v7  }
0x65: {  	v5 =	vor.u32 v5, v58;
	v7 =	vld.idx.msk [tilespmem:v8+s11+$0x0], $0xffff  }
0x66: {  	v4 =	vor.u32 v4, v5;
	_ =	sdelay $0x3  }
0x67: {  	[tilespmem:s24+$0x10] =	vst v7  }
0x68: {  	s31 =	sadd.s32 $0x3, s23;
	v4 =	vld.idx.msk [tilespmem:v4+s11+$0x0], $0xffff  }
0x69: {  	v5 =	vmov s31;
	_ =	sdelay $0x3  }
0x6a: {  	[tilespmem:s24+$0x20] =	vst v4  }
0x6b: {  	v4 =	vld.idx.msk [tilespmem:v5+s3+$0x0], $0xffff;
	_ =	sdelay $0x3  }
0x6c: {  	v5 =	vshll.u32 v5, $0x4  }
0x6d: {  	v62 =	vadd.s32 v0, v5;
	v61 =	vand.u32 $0x8, v4  }
0x6e: {  	v4 =	vand.u32 $0x7, v4;
	v7 =	vor.u32 v62, v61  }
0x6f: {  	v7 =	vor.u32 v4, v7;
	_ =	sdelay $0x3  }
0x70: {  	v63 =	vadd.s32 v3, v5  }
0x71: {  	v8 =	vor.u32 v63, v61;
	v7 =	vld.idx.msk [tilespmem:v7+s11+$0x0], $0xffff  }
0x72: {  	v8 =	vor.u32 v4, v8;
	_ =	sdelay $0x3  }
0x73: {  	v5 =	vadd.s32 v2, v5;
	[tilespmem:s24+$0x80] =	vst v7  }
0x74: {  	v5 =	vor.u32 v5, v61;
	v7 =	vld.idx.msk [tilespmem:v8+s11+$0x0], $0xffff  }
0x75: {  	v4 =	vor.u32 v4, v5;
	_ =	sdelay $0x3  }
0x76: {  	[tilespmem:s24+$0x90] =	vst v7  }
0x77: {  	p0 =	slt.u32 s23, $0xC;
	v4 =	vld.idx.msk [tilespmem:v4+s11+$0x0], $0xffff  }
.Ltmp1:
0x78: {  	_ = 	snop;
	(pc) =	sbr.rel @p0 .LBB2_4-.Ltmp1, $2  }
0x79: {  	_ =	sdelay $0x2  }
0x7a: {  	s23 =	sadd.s32 $0x4, s23;
	[tilespmem:s24+$0xA0] =	vst v4;
	s24 =	sadd.s32 $0x200, s24  }
0x7b: {  	s22 =	sadd.s32 $0x1, s22  }
0x7c: {  	p0 =	sne.s32 s22, s7  }
.Ltmp2:
0x7d: {  	_ = 	snop;
	(pc) =	sbr.rel @p0 .LBB2_1-.Ltmp2, $4  }
0x7e: {  	[hbm4b:s6+s3] =	stream.linear.scatter [tilespmem:s21], [sflag:$0x2], $0x800, $0x38;
	[tilespmem:$0x2C30] =	vst v63  }
0x7f: {  	_ =	swait.ge [sflag:s8], $0x800  }
0x80: {  	[sflag:s8] =	ssyncset.done $0x0  }
0x81: {  	[sflag:s8] =	ssyncadd.s32 $0xFFFFF800  }
0x82: {  	_ =	sfence.sel $0x180000  }
0x83: {  	[bflag:$0x0] =	sbarrier.arrive $0xFFFF  }
0x84: {  	p0 =	sne.s32 s1, $0x0;
	_ =	strace $0x90000047  }
0x85: {  	s0 =	sadd.s32 @!p0 $0x100000, s0;
	[bflag:$0x2] =	sbarrier.arrive $0xFFFF  }
0x86: {  	[sflag:s0] =	ssyncadd.tile.s32 @!p0 $0x1;
	_ =	shalt  }
.Lfunc_end2:
_tile_overlayer_lowered:
.L_overlay_start_2:
0x87: {  	(tag) =	ssettag $0x2  }
0x88: {  	s0 =	rddreg [dreg:$0x0];
	s2 =	stileid.u32  }
0x89: {  	s1 =	rddreg [dreg:$0x1];
	p0 =	sne.s32 s2, $0x0  }
0x8a: {  	s3 =	rddreg [dreg:$0x2];
	[bflag:$0x3] =	sbarrier.arrive $0xFFFF;
	s2 =	simm.s32 @!p0 $0x1C02  }
0x8b: {  	[timem:s3], [sflag:s2] =	dma.local @!p0 [hbm:s0], s1  }
0x8c: {  	s0 =	simm.s32 @!p0 $0x2  }
0x8d: {  	_ =	swait.ge @!p0 [sflag:s0], s1  }
0x8e: {  	s1 =	ssub.s32 @!p0 $0x0, s1;
	[sflag:s0] =	ssyncset.done @!p0 $0x0  }
0x8f: {  	[sflag:s0] =	ssyncadd.s32 @!p0 s1  }
0x90: {  	[bflag:$0x3] =	sbarrier.arrive $0xFFFF  }
0x91: {  	_ =	shalt  }

</sc_bundles>
